<compile_context>
chip_gen: v7x
topology: tpu7x:2x2x1
jax: 0.10.2.dev20260603
libtpu: 0.0.44.dev20260713+nightly
codegen_flags: <defaults>
</compile_context>

<pallas_src>
import functools

import jax
import jax.numpy as jnp
from jax import lax
from jax.experimental import pallas as pl
from jax.experimental.pallas import tpu as pltpu
from jax.experimental.pallas import tpu_sc as plsc

_Q = 254
_K = 256
_D = 512
_V = 509

_NC = 2
_NS = 16

_QPW = 16
_CHUNK = 64
_NCHUNK = _K // _CHUNK
_KT = _CHUNK // 8
_DT = _D // 128
_DH = _DT // _NC
_TT = _K // 8 + _QPW - 1


def _body(w_hbm, out_hbm, tbl, ssem, wsem):
    half = lax.axis_index("c")
    sid = lax.axis_index("s")
    r = sid & 7
    i0 = (sid >> 3) * _QPW
    qmax = r + 8 * (i0 + _QPW - 1)
    qmaxc = jnp.where(qmax >= _Q, qmax - 8, qmax)
    base = (_Q - 1) - qmaxc

    def stage(tt, carry):
        for g in range(_DH):
            pltpu.async_copy(
                w_hbm.at[pl.ds(base + 8 * tt, 8), _DH * half + g, :],
                tbl.at[tt, g],
                ssem,
            )
        return carry

    lax.fori_loop(0, _TT, stage, 0)
    pltpu.make_async_copy(
        out_hbm.at[0, pl.ds(0, _TT), pl.ds(0, _DH), :, :], tbl, ssem
    ).wait()

    def write_row(i, carry):
        q = r + 8 * (i0 + i)
        qc = jnp.where(q >= _Q, q - 8, q)
        for c in range(_NCHUNK):
            jt = _KT * c + ((qmaxc - qc) >> 3)
            pltpu.async_copy(
                tbl.at[pl.ds(jt, _KT)],
                out_hbm.at[qc, pl.ds(c * _KT, _KT), pl.ds(_DH * half, _DH), :, :],
                wsem,
            )
        return carry

    lax.fori_loop(0, _QPW, write_row, 0)
    for hq in range(2):
        pltpu.make_async_copy(
            out_hbm.at[hq, :, pl.ds(0, _DH), :, :],
            out_hbm.at[hq, :, pl.ds(0, _DH), :, :],
            wsem,
        ).wait()


@jax.jit
def kernel(weight):
    run = functools.partial(
        pl.kernel,
        out_type=jax.ShapeDtypeStruct((_Q, _K // 8, _DT, 8, 128), jnp.float32),
        mesh=plsc.VectorSubcoreMesh(core_axis_name="c", subcore_axis_name="s"),
        scratch_types=[
            pltpu.VMEM((_TT, _DH, 8, 128), jnp.float32),
            pltpu.SemaphoreType.DMA,
            pltpu.SemaphoreType.DMA,
        ],
        compiler_params=pltpu.CompilerParams(use_tc_tiling_on_sc=False),
    )(_body)
    tiled = run(weight.reshape(_V, _DT, 128))
    return tiled.transpose(0, 1, 3, 2, 4).reshape(_Q, _K, _D)

# --- scband reference (transcript-rebuilt; emitter-appended) ---
"""Pipeline reference for scband-relative-positional-encoding-32152125177890 (READ-ONLY COPY).

The authoritative reference and input builder live on the scoring server;
editing this copy changes nothing except your own understanding.
"""

import jax, jax.numpy as jnp
import numpy as np

MAX_SPAN = 255
QUERY_LENGTH = 254
KEY_LENGTH = 256
DEPTH = 512


def _compute_relative_distance_matrix(query_length, key_length):
    if (key_length - query_length) % 2:
        raise ValueError('Key_length should be query_length + 2 * memory_flange.')
    key_index = jnp.arange(key_length)
    query_index = jnp.arange(query_length) + (key_length - query_length) // 2
    distance_matrix = key_index[None, :] - query_index[:, None]
    distance_matrix = distance_matrix + MAX_SPAN - 1
    return distance_matrix


def setup_inputs(seed: int = 0) -> dict:
    key = jax.random.key(seed)
    # Embedding table: (2*MAX_SPAN - 1, depth), trunc_normal std=1.0 approximated
    # by clipping a standard normal to +/-2 std (torch trunc_normal_ default bounds).
    w = jax.random.truncated_normal(key, -2.0, 2.0, (MAX_SPAN * 2 - 1, DEPTH), dtype=jnp.float32)
    return {"weight": w}


def reference(weight):
    distance_matrix = _compute_relative_distance_matrix(QUERY_LENGTH, KEY_LENGTH)
    flat_idx = distance_matrix.reshape(-1)
    gathered = jnp.take(weight, flat_idx, axis=0)
    return gathered.reshape(QUERY_LENGTH, KEY_LENGTH, DEPTH)

if __name__ == "__main__":
    import jax
    _d = setup_inputs()
    print(jax.jit(kernel)(*tuple(_d.values())))

</pallas_src>

<mosaic_0001>
#map = affine_map<(d0, d1) -> (0, 0, 0)>
#map1 = affine_map<(d0, d1) -> (0, 0, 0, 0, 0)>
module attributes {stable_mosaic.version = 14 : i64} {
  func.func @_body(%arg0: i32, %arg1: i32, %arg2: memref<509x4x128xf32, #tpu.memory_space<hbm>>, %arg3: memref<254x32x4x8x128xf32, #tpu.memory_space<hbm>>, %arg4: memref<47x2x8x128xf32, #tpu.memory_space<vmem>>, %arg5: memref<!tpu.dma_semaphore, #tpu.memory_space<semaphore_mem>>, %arg6: memref<!tpu.dma_semaphore, #tpu.memory_space<semaphore_mem>>) attributes {dimension_semantics = [#tpu.dimension_semantics<core_parallel>, #tpu.dimension_semantics<subcore_parallel>], iteration_bounds = array<i64: 2, 16>, scalar_prefetch = 0 : i64, scratch_operands = 3 : i64, tpu.core_type = #tpu.core_type<sc_vector_subcore>, window_params = [{transform_indices = #map}, {transform_indices = #map1}]} {
    %and3A = arith.constant 7 : i32
    %and3A_0 = arith.andi %arg1, %and3A : i32
    %shift_right_arithmetic3A = arith.constant 3 : i32
    %shift_right_arithmetic3A_1 = arith.shrsi %arg1, %shift_right_arithmetic3A : i32
    %mul3A = arith.constant 16 : i32
    %mul3A_2 = arith.muli %shift_right_arithmetic3A_1, %mul3A : i32
    %add3A = arith.constant 16 : i32
    %add3A_3 = arith.addi %mul3A_2, %add3A : i32
    %sub3A = arith.constant 1 : i32
    %sub3A_4 = arith.subi %add3A_3, %sub3A : i32
    %mul3A_5 = arith.constant 8 : i32
    %mul3A_6 = arith.muli %mul3A_5, %sub3A_4 : i32
    %add3A_7 = arith.addi %and3A_0, %mul3A_6 : i32
    %ge3A = arith.constant 254 : i32
    %ge3A_8 = arith.cmpi sge, %add3A_7, %ge3A : i32
    %sub3A_9 = arith.constant 8 : i32
    %sub3A_10 = arith.subi %add3A_7, %sub3A_9 : i32
    %select_n3A = arith.select %ge3A_8, %sub3A_10, %add3A_7 : i32
    %sub3A_11 = arith.constant 253 : i32
    %sub3A_12 = arith.subi %sub3A_11, %select_n3A : i32
    %scan3A = arith.constant 0 : i32
    %scan3A_13 = arith.constant 0 : i32
    %scan3A_14 = arith.constant 47 : i32
    %scan3A_15 = arith.addi %scan3A_13, %scan3A_14 : i32
    %scan3A_16 = arith.constant 1 : i32
    scf.for %scan3A_64 = %scan3A_13 to %scan3A_15 step %scan3A_16  : i32 {
      %mul3A_65 = arith.constant 8 : i32
      %mul3A_66 = arith.muli %mul3A_65, %scan3A_64 : i32
      %add3A_67 = arith.addi %sub3A_12, %mul3A_66 : i32
      %mul3A_68 = arith.constant 2 : i32
      %mul3A_69 = arith.muli %mul3A_68, %arg0 : i32
      %add3A_70 = arith.constant 0 : i32
      %add3A_71 = arith.addi %mul3A_69, %add3A_70 : i32
      %dma_start3A = arith.constant 0 : i32
      %dma_start3A_72 = arith.constant 0 : i32
      %dma_start3A_73 = arith.constant 0 : i32
      %dma_start3A_74 = tpu.memref_slice %arg4[%scan3A_64, %dma_start3A, %dma_start3A_72, %dma_start3A_73] : memref<47x2x8x128xf32, #tpu.memory_space<vmem>> -> memref<1x1x8x128xf32, #tpu.memory_space<vmem>>
      %dma_start3A_75 = tpu.memref_squeeze %dma_start3A_74 : memref<1x1x8x128xf32, #tpu.memory_space<vmem>> -> memref<8x128xf32, #tpu.memory_space<vmem>>
      %dma_start3A_76 = arith.constant 0 : i32
      %dma_start3A_77 = tpu.memref_slice %arg2[%add3A_67, %add3A_71, %dma_start3A_76] : memref<509x4x128xf32, #tpu.memory_space<hbm>> -> memref<8x1x128xf32, #tpu.memory_space<hbm>>
      %dma_start3A_78 = tpu.memref_squeeze %dma_start3A_77 : memref<8x1x128xf32, #tpu.memory_space<hbm>> -> memref<8x128xf32, #tpu.memory_space<hbm>>
      %dma_start3A_79 = arith.constant 0 : i32
      %dma_start3A_80 = arith.constant 0 : i32
      %dma_start3A_81 = tpu.memref_slice %arg4[%scan3A_64, %dma_start3A, %dma_start3A_79, %dma_start3A_80] : memref<47x2x8x128xf32, #tpu.memory_space<vmem>> -> memref<1x1x8x128xf32, #tpu.memory_space<vmem>>
      %dma_start3A_82 = tpu.memref_squeeze %dma_start3A_81 : memref<1x1x8x128xf32, #tpu.memory_space<vmem>> -> memref<8x128xf32, #tpu.memory_space<vmem>>
      %dma_start3A_83 = arith.constant 0 : i32
      %dma_start3A_84 = tpu.memref_slice %arg2[%add3A_67, %add3A_71, %dma_start3A_83] : memref<509x4x128xf32, #tpu.memory_space<hbm>> -> memref<8x1x128xf32, #tpu.memory_space<hbm>>
      %dma_start3A_85 = tpu.memref_squeeze %dma_start3A_84 : memref<8x1x128xf32, #tpu.memory_space<hbm>> -> memref<8x128xf32, #tpu.memory_space<hbm>>
      tpu.enqueue_dma source(%dma_start3A_85 : memref<8x128xf32, #tpu.memory_space<hbm>>) target(%dma_start3A_82 : memref<8x128xf32, #tpu.memory_space<vmem>>) target_semaphore(%arg5 : memref<!tpu.dma_semaphore, #tpu.memory_space<semaphore_mem>>)
      %mul3A_86 = arith.constant 8 : i32
      %mul3A_87 = arith.muli %mul3A_86, %scan3A_64 : i32
      %add3A_88 = arith.addi %sub3A_12, %mul3A_87 : i32
      %mul3A_89 = arith.constant 2 : i32
      %mul3A_90 = arith.muli %mul3A_89, %arg0 : i32
      %add3A_91 = arith.constant 1 : i32
      %add3A_92 = arith.addi %mul3A_90, %add3A_91 : i32
      %dma_start3A_93 = arith.constant 1 : i32
      %dma_start3A_94 = arith.constant 0 : i32
      %dma_start3A_95 = arith.constant 0 : i32
      %dma_start3A_96 = tpu.memref_slice %arg4[%scan3A_64, %dma_start3A_93, %dma_start3A_94, %dma_start3A_95] : memref<47x2x8x128xf32, #tpu.memory_space<vmem>> -> memref<1x1x8x128xf32, #tpu.memory_space<vmem>>
      %dma_start3A_97 = tpu.memref_squeeze %dma_start3A_96 : memref<1x1x8x128xf32, #tpu.memory_space<vmem>> -> memref<8x128xf32, #tpu.memory_space<vmem>>
      %dma_start3A_98 = arith.constant 0 : i32
      %dma_start3A_99 = tpu.memref_slice %arg2[%add3A_88, %add3A_92, %dma_start3A_98] : memref<509x4x128xf32, #tpu.memory_space<hbm>> -> memref<8x1x128xf32, #tpu.memory_space<hbm>>
      %dma_start3A_100 = tpu.memref_squeeze %dma_start3A_99 : memref<8x1x128xf32, #tpu.memory_space<hbm>> -> memref<8x128xf32, #tpu.memory_space<hbm>>
      %dma_start3A_101 = arith.constant 0 : i32
      %dma_start3A_102 = arith.constant 0 : i32
      %dma_start3A_103 = tpu.memref_slice %arg4[%scan3A_64, %dma_start3A_93, %dma_start3A_101, %dma_start3A_102] : memref<47x2x8x128xf32, #tpu.memory_space<vmem>> -> memref<1x1x8x128xf32, #tpu.memory_space<vmem>>
      %dma_start3A_104 = tpu.memref_squeeze %dma_start3A_103 : memref<1x1x8x128xf32, #tpu.memory_space<vmem>> -> memref<8x128xf32, #tpu.memory_space<vmem>>
      %dma_start3A_105 = arith.constant 0 : i32
      %dma_start3A_106 = tpu.memref_slice %arg2[%add3A_88, %add3A_92, %dma_start3A_105] : memref<509x4x128xf32, #tpu.memory_space<hbm>> -> memref<8x1x128xf32, #tpu.memory_space<hbm>>
      %dma_start3A_107 = tpu.memref_squeeze %dma_start3A_106 : memref<8x1x128xf32, #tpu.memory_space<hbm>> -> memref<8x128xf32, #tpu.memory_space<hbm>>
      tpu.enqueue_dma source(%dma_start3A_107 : memref<8x128xf32, #tpu.memory_space<hbm>>) target(%dma_start3A_104 : memref<8x128xf32, #tpu.memory_space<vmem>>) target_semaphore(%arg5 : memref<!tpu.dma_semaphore, #tpu.memory_space<semaphore_mem>>)
    }
    %scan3A_17 = arith.constant 47 : i32
    %dma_wait3A = arith.constant 0 : i32
    %dma_wait3A_18 = arith.constant 0 : i32
    %dma_wait3A_19 = arith.constant 0 : i32
    %dma_wait3A_20 = arith.constant 0 : i32
    %dma_wait3A_21 = arith.constant 0 : i32
    %dma_wait3A_22 = tpu.memref_slice %arg3[%dma_wait3A, %dma_wait3A_18, %dma_wait3A_19, %dma_wait3A_20, %dma_wait3A_21] : memref<254x32x4x8x128xf32, #tpu.memory_space<hbm>> -> memref<1x47x2x8x128xf32, #tpu.memory_space<hbm>>
    %dma_wait3A_23 = tpu.memref_squeeze %dma_wait3A_22 : memref<1x47x2x8x128xf32, #tpu.memory_space<hbm>> -> memref<47x2x8x128xf32, #tpu.memory_space<hbm>>
    %dma_wait3A_24 = arith.constant 0 : i32
    %dma_wait3A_25 = arith.constant 0 : i32
    %dma_wait3A_26 = arith.constant 0 : i32
    %dma_wait3A_27 = arith.constant 0 : i32
    %dma_wait3A_28 = tpu.memref_slice %arg3[%dma_wait3A, %dma_wait3A_24, %dma_wait3A_25, %dma_wait3A_26, %dma_wait3A_27] : memref<254x32x4x8x128xf32, #tpu.memory_space<hbm>> -> memref<1x47x2x8x128xf32, #tpu.memory_space<hbm>>
    %dma_wait3A_29 = tpu.memref_squeeze %dma_wait3A_28 : memref<1x47x2x8x128xf32, #tpu.memory_space<hbm>> -> memref<47x2x8x128xf32, #tpu.memory_space<hbm>>
    tpu.wait_dma2 semaphore(%arg5 : memref<!tpu.dma_semaphore, #tpu.memory_space<semaphore_mem>>) src(%dma_wait3A_29 : memref<47x2x8x128xf32, #tpu.memory_space<hbm>>) dst(%arg4 : memref<47x2x8x128xf32, #tpu.memory_space<vmem>>)
    %scan3A_30 = arith.constant 0 : i32
    %scan3A_31 = arith.constant 0 : i32
    %scan3A_32 = arith.constant 16 : i32
    %scan3A_33 = arith.addi %scan3A_31, %scan3A_32 : i32
    %scan3A_34 = arith.constant 1 : i32
    scf.for %scan3A_64 = %scan3A_31 to %scan3A_33 step %scan3A_34  : i32 {
      %add3A_65 = arith.addi %mul3A_2, %scan3A_64 : i32
      %mul3A_66 = arith.constant 8 : i32
      %mul3A_67 = arith.muli %mul3A_66, %add3A_65 : i32
      %add3A_68 = arith.addi %and3A_0, %mul3A_67 : i32
      %ge3A_69 = arith.constant 254 : i32
      %ge3A_70 = arith.cmpi sge, %add3A_68, %ge3A_69 : i32
      %sub3A_71 = arith.constant 8 : i32
      %sub3A_72 = arith.subi %add3A_68, %sub3A_71 : i32
      %select_n3A_73 = arith.select %ge3A_70, %sub3A_72, %add3A_68 : i32
      %sub3A_74 = arith.subi %select_n3A, %select_n3A_73 : i32
      %shift_right_arithmetic3A_75 = arith.constant 3 : i32
      %shift_right_arithmetic3A_76 = arith.shrsi %sub3A_74, %shift_right_arithmetic3A_75 : i32
      %add3A_77 = arith.constant 0 : i32
      %add3A_78 = arith.addi %add3A_77, %shift_right_arithmetic3A_76 : i32
      %mul3A_79 = arith.constant 2 : i32
      %mul3A_80 = arith.muli %mul3A_79, %arg0 : i32
      %dma_start3A = arith.constant 0 : i32
      %dma_start3A_81 = arith.constant 0 : i32
      %dma_start3A_82 = arith.constant 0 : i32
      %dma_start3A_83 = tpu.memref_slice %arg4[%add3A_78, %dma_start3A, %dma_start3A_81, %dma_start3A_82] : memref<47x2x8x128xf32, #tpu.memory_space<vmem>> -> memref<8x2x8x128xf32, #tpu.memory_space<vmem>>
      %dma_start3A_84 = arith.constant 0 : i32
      %dma_start3A_85 = arith.constant 0 : i32
      %dma_start3A_86 = arith.constant 0 : i32
      %dma_start3A_87 = tpu.memref_slice %arg3[%select_n3A_73, %dma_start3A_84, %mul3A_80, %dma_start3A_85, %dma_start3A_86] : memref<254x32x4x8x128xf32, #tpu.memory_space<hbm>> -> memref<1x8x2x8x128xf32, #tpu.memory_space<hbm>>
      %dma_start3A_88 = tpu.memref_squeeze %dma_start3A_87 : memref<1x8x2x8x128xf32, #tpu.memory_space<hbm>> -> memref<8x2x8x128xf32, #tpu.memory_space<hbm>>
      %dma_start3A_89 = arith.constant 0 : i32
      %dma_start3A_90 = arith.constant 0 : i32
      %dma_start3A_91 = arith.constant 0 : i32
      %dma_start3A_92 = tpu.memref_slice %arg3[%select_n3A_73, %dma_start3A_89, %mul3A_80, %dma_start3A_90, %dma_start3A_91] : memref<254x32x4x8x128xf32, #tpu.memory_space<hbm>> -> memref<1x8x2x8x128xf32, #tpu.memory_space<hbm>>
      %dma_start3A_93 = tpu.memref_squeeze %dma_start3A_92 : memref<1x8x2x8x128xf32, #tpu.memory_space<hbm>> -> memref<8x2x8x128xf32, #tpu.memory_space<hbm>>
      %dma_start3A_94 = arith.constant 0 : i32
      %dma_start3A_95 = arith.constant 0 : i32
      %dma_start3A_96 = arith.constant 0 : i32
      %dma_start3A_97 = tpu.memref_slice %arg4[%add3A_78, %dma_start3A_94, %dma_start3A_95, %dma_start3A_96] : memref<47x2x8x128xf32, #tpu.memory_space<vmem>> -> memref<8x2x8x128xf32, #tpu.memory_space<vmem>>
      tpu.enqueue_dma source(%dma_start3A_97 : memref<8x2x8x128xf32, #tpu.memory_space<vmem>>) target(%dma_start3A_93 : memref<8x2x8x128xf32, #tpu.memory_space<hbm>>) target_semaphore(%arg6 : memref<!tpu.dma_semaphore, #tpu.memory_space<semaphore_mem>>)
      %sub3A_98 = arith.subi %select_n3A, %select_n3A_73 : i32
      %shift_right_arithmetic3A_99 = arith.constant 3 : i32
      %shift_right_arithmetic3A_100 = arith.shrsi %sub3A_98, %shift_right_arithmetic3A_99 : i32
      %add3A_101 = arith.constant 8 : i32
      %add3A_102 = arith.addi %add3A_101, %shift_right_arithmetic3A_100 : i32
      %mul3A_103 = arith.constant 2 : i32
      %mul3A_104 = arith.muli %mul3A_103, %arg0 : i32
      %dma_start3A_105 = arith.constant 0 : i32
      %dma_start3A_106 = arith.constant 0 : i32
      %dma_start3A_107 = arith.constant 0 : i32
      %dma_start3A_108 = tpu.memref_slice %arg4[%add3A_102, %dma_start3A_105, %dma_start3A_106, %dma_start3A_107] : memref<47x2x8x128xf32, #tpu.memory_space<vmem>> -> memref<8x2x8x128xf32, #tpu.memory_space<vmem>>
      %dma_start3A_109 = arith.constant 8 : i32
      %dma_start3A_110 = arith.constant 0 : i32
      %dma_start3A_111 = arith.constant 0 : i32
      %dma_start3A_112 = tpu.memref_slice %arg3[%select_n3A_73, %dma_start3A_109, %mul3A_104, %dma_start3A_110, %dma_start3A_111] : memref<254x32x4x8x128xf32, #tpu.memory_space<hbm>> -> memref<1x8x2x8x128xf32, #tpu.memory_space<hbm>>
      %dma_start3A_113 = tpu.memref_squeeze %dma_start3A_112 : memref<1x8x2x8x128xf32, #tpu.memory_space<hbm>> -> memref<8x2x8x128xf32, #tpu.memory_space<hbm>>
      %dma_start3A_114 = arith.constant 8 : i32
      %dma_start3A_115 = arith.constant 0 : i32
      %dma_start3A_116 = arith.constant 0 : i32
      %dma_start3A_117 = tpu.memref_slice %arg3[%select_n3A_73, %dma_start3A_114, %mul3A_104, %dma_start3A_115, %dma_start3A_116] : memref<254x32x4x8x128xf32, #tpu.memory_space<hbm>> -> memref<1x8x2x8x128xf32, #tpu.memory_space<hbm>>
      %dma_start3A_118 = tpu.memref_squeeze %dma_start3A_117 : memref<1x8x2x8x128xf32, #tpu.memory_space<hbm>> -> memref<8x2x8x128xf32, #tpu.memory_space<hbm>>
      %dma_start3A_119 = arith.constant 0 : i32
      %dma_start3A_120 = arith.constant 0 : i32
      %dma_start3A_121 = arith.constant 0 : i32
      %dma_start3A_122 = tpu.memref_slice %arg4[%add3A_102, %dma_start3A_119, %dma_start3A_120, %dma_start3A_121] : memref<47x2x8x128xf32, #tpu.memory_space<vmem>> -> memref<8x2x8x128xf32, #tpu.memory_space<vmem>>
      tpu.enqueue_dma source(%dma_start3A_122 : memref<8x2x8x128xf32, #tpu.memory_space<vmem>>) target(%dma_start3A_118 : memref<8x2x8x128xf32, #tpu.memory_space<hbm>>) target_semaphore(%arg6 : memref<!tpu.dma_semaphore, #tpu.memory_space<semaphore_mem>>)
      %sub3A_123 = arith.subi %select_n3A, %select_n3A_73 : i32
      %shift_right_arithmetic3A_124 = arith.constant 3 : i32
      %shift_right_arithmetic3A_125 = arith.shrsi %sub3A_123, %shift_right_arithmetic3A_124 : i32
      %add3A_126 = arith.constant 16 : i32
      %add3A_127 = arith.addi %add3A_126, %shift_right_arithmetic3A_125 : i32
      %mul3A_128 = arith.constant 2 : i32
      %mul3A_129 = arith.muli %mul3A_128, %arg0 : i32
      %dma_start3A_130 = arith.constant 0 : i32
      %dma_start3A_131 = arith.constant 0 : i32
      %dma_start3A_132 = arith.constant 0 : i32
      %dma_start3A_133 = tpu.memref_slice %arg4[%add3A_127, %dma_start3A_130, %dma_start3A_131, %dma_start3A_132] : memref<47x2x8x128xf32, #tpu.memory_space<vmem>> -> memref<8x2x8x128xf32, #tpu.memory_space<vmem>>
      %dma_start3A_134 = arith.constant 16 : i32
      %dma_start3A_135 = arith.constant 0 : i32
      %dma_start3A_136 = arith.constant 0 : i32
      %dma_start3A_137 = tpu.memref_slice %arg3[%select_n3A_73, %dma_start3A_134, %mul3A_129, %dma_start3A_135, %dma_start3A_136] : memref<254x32x4x8x128xf32, #tpu.memory_space<hbm>> -> memref<1x8x2x8x128xf32, #tpu.memory_space<hbm>>
      %dma_start3A_138 = tpu.memref_squeeze %dma_start3A_137 : memref<1x8x2x8x128xf32, #tpu.memory_space<hbm>> -> memref<8x2x8x128xf32, #tpu.memory_space<hbm>>
      %dma_start3A_139 = arith.constant 16 : i32
      %dma_start3A_140 = arith.constant 0 : i32
      %dma_start3A_141 = arith.constant 0 : i32
      %dma_start3A_142 = tpu.memref_slice %arg3[%select_n3A_73, %dma_start3A_139, %mul3A_129, %dma_start3A_140, %dma_start3A_141] : memref<254x32x4x8x128xf32, #tpu.memory_space<hbm>> -> memref<1x8x2x8x128xf32, #tpu.memory_space<hbm>>
      %dma_start3A_143 = tpu.memref_squeeze %dma_start3A_142 : memref<1x8x2x8x128xf32, #tpu.memory_space<hbm>> -> memref<8x2x8x128xf32, #tpu.memory_space<hbm>>
      %dma_start3A_144 = arith.constant 0 : i32
      %dma_start3A_145 = arith.constant 0 : i32
      %dma_start3A_146 = arith.constant 0 : i32
      %dma_start3A_147 = tpu.memref_slice %arg4[%add3A_127, %dma_start3A_144, %dma_start3A_145, %dma_start3A_146] : memref<47x2x8x128xf32, #tpu.memory_space<vmem>> -> memref<8x2x8x128xf32, #tpu.memory_space<vmem>>
      tpu.enqueue_dma source(%dma_start3A_147 : memref<8x2x8x128xf32, #tpu.memory_space<vmem>>) target(%dma_start3A_143 : memref<8x2x8x128xf32, #tpu.memory_space<hbm>>) target_semaphore(%arg6 : memref<!tpu.dma_semaphore, #tpu.memory_space<semaphore_mem>>)
      %sub3A_148 = arith.subi %select_n3A, %select_n3A_73 : i32
      %shift_right_arithmetic3A_149 = arith.constant 3 : i32
      %shift_right_arithmetic3A_150 = arith.shrsi %sub3A_148, %shift_right_arithmetic3A_149 : i32
      %add3A_151 = arith.constant 24 : i32
      %add3A_152 = arith.addi %add3A_151, %shift_right_arithmetic3A_150 : i32
      %mul3A_153 = arith.constant 2 : i32
      %mul3A_154 = arith.muli %mul3A_153, %arg0 : i32
      %dma_start3A_155 = arith.constant 0 : i32
      %dma_start3A_156 = arith.constant 0 : i32
      %dma_start3A_157 = arith.constant 0 : i32
      %dma_start3A_158 = tpu.memref_slice %arg4[%add3A_152, %dma_start3A_155, %dma_start3A_156, %dma_start3A_157] : memref<47x2x8x128xf32, #tpu.memory_space<vmem>> -> memref<8x2x8x128xf32, #tpu.memory_space<vmem>>
      %dma_start3A_159 = arith.constant 24 : i32
      %dma_start3A_160 = arith.constant 0 : i32
      %dma_start3A_161 = arith.constant 0 : i32
      %dma_start3A_162 = tpu.memref_slice %arg3[%select_n3A_73, %dma_start3A_159, %mul3A_154, %dma_start3A_160, %dma_start3A_161] : memref<254x32x4x8x128xf32, #tpu.memory_space<hbm>> -> memref<1x8x2x8x128xf32, #tpu.memory_space<hbm>>
      %dma_start3A_163 = tpu.memref_squeeze %dma_start3A_162 : memref<1x8x2x8x128xf32, #tpu.memory_space<hbm>> -> memref<8x2x8x128xf32, #tpu.memory_space<hbm>>
      %dma_start3A_164 = arith.constant 24 : i32
      %dma_start3A_165 = arith.constant 0 : i32
      %dma_start3A_166 = arith.constant 0 : i32
      %dma_start3A_167 = tpu.memref_slice %arg3[%select_n3A_73, %dma_start3A_164, %mul3A_154, %dma_start3A_165, %dma_start3A_166] : memref<254x32x4x8x128xf32, #tpu.memory_space<hbm>> -> memref<1x8x2x8x128xf32, #tpu.memory_space<hbm>>
      %dma_start3A_168 = tpu.memref_squeeze %dma_start3A_167 : memref<1x8x2x8x128xf32, #tpu.memory_space<hbm>> -> memref<8x2x8x128xf32, #tpu.memory_space<hbm>>
      %dma_start3A_169 = arith.constant 0 : i32
      %dma_start3A_170 = arith.constant 0 : i32
      %dma_start3A_171 = arith.constant 0 : i32
      %dma_start3A_172 = tpu.memref_slice %arg4[%add3A_152, %dma_start3A_169, %dma_start3A_170, %dma_start3A_171] : memref<47x2x8x128xf32, #tpu.memory_space<vmem>> -> memref<8x2x8x128xf32, #tpu.memory_space<vmem>>
      tpu.enqueue_dma source(%dma_start3A_172 : memref<8x2x8x128xf32, #tpu.memory_space<vmem>>) target(%dma_start3A_168 : memref<8x2x8x128xf32, #tpu.memory_space<hbm>>) target_semaphore(%arg6 : memref<!tpu.dma_semaphore, #tpu.memory_space<semaphore_mem>>)
    }
    %scan3A_35 = arith.constant 16 : i32
    %dma_wait3A_36 = arith.constant 0 : i32
    %dma_wait3A_37 = arith.constant 0 : i32
    %dma_wait3A_38 = arith.constant 0 : i32
    %dma_wait3A_39 = arith.constant 0 : i32
    %dma_wait3A_40 = arith.constant 0 : i32
    %dma_wait3A_41 = arith.constant 0 : i32
    %dma_wait3A_42 = tpu.memref_slice %arg3[%dma_wait3A_37, %dma_wait3A_38, %dma_wait3A_39, %dma_wait3A_40, %dma_wait3A_41] : memref<254x32x4x8x128xf32, #tpu.memory_space<hbm>> -> memref<1x32x2x8x128xf32, #tpu.memory_space<hbm>>
    %dma_wait3A_43 = tpu.memref_squeeze %dma_wait3A_42 : memref<1x32x2x8x128xf32, #tpu.memory_space<hbm>> -> memref<32x2x8x128xf32, #tpu.memory_space<hbm>>
    %dma_wait3A_44 = arith.constant 0 : i32
    %dma_wait3A_45 = arith.constant 0 : i32
    %dma_wait3A_46 = arith.constant 0 : i32
    %dma_wait3A_47 = arith.constant 0 : i32
    %dma_wait3A_48 = tpu.memref_slice %arg3[%dma_wait3A_36, %dma_wait3A_44, %dma_wait3A_45, %dma_wait3A_46, %dma_wait3A_47] : memref<254x32x4x8x128xf32, #tpu.memory_space<hbm>> -> memref<1x32x2x8x128xf32, #tpu.memory_space<hbm>>
    %dma_wait3A_49 = tpu.memref_squeeze %dma_wait3A_48 : memref<1x32x2x8x128xf32, #tpu.memory_space<hbm>> -> memref<32x2x8x128xf32, #tpu.memory_space<hbm>>
    tpu.wait_dma2 semaphore(%arg6 : memref<!tpu.dma_semaphore, #tpu.memory_space<semaphore_mem>>) src(%dma_wait3A_49 : memref<32x2x8x128xf32, #tpu.memory_space<hbm>>) dst(%dma_wait3A_43 : memref<32x2x8x128xf32, #tpu.memory_space<hbm>>)
    %dma_wait3A_50 = arith.constant 1 : i32
    %dma_wait3A_51 = arith.constant 1 : i32
    %dma_wait3A_52 = arith.constant 0 : i32
    %dma_wait3A_53 = arith.constant 0 : i32
    %dma_wait3A_54 = arith.constant 0 : i32
    %dma_wait3A_55 = arith.constant 0 : i32
    %dma_wait3A_56 = tpu.memref_slice %arg3[%dma_wait3A_51, %dma_wait3A_52, %dma_wait3A_53, %dma_wait3A_54, %dma_wait3A_55] : memref<254x32x4x8x128xf32, #tpu.memory_space<hbm>> -> memref<1x32x2x8x128xf32, #tpu.memory_space<hbm>>
    %dma_wait3A_57 = tpu.memref_squeeze %dma_wait3A_56 : memref<1x32x2x8x128xf32, #tpu.memory_space<hbm>> -> memref<32x2x8x128xf32, #tpu.memory_space<hbm>>
    %dma_wait3A_58 = arith.constant 0 : i32
    %dma_wait3A_59 = arith.constant 0 : i32
    %dma_wait3A_60 = arith.constant 0 : i32
    %dma_wait3A_61 = arith.constant 0 : i32
    %dma_wait3A_62 = tpu.memref_slice %arg3[%dma_wait3A_50, %dma_wait3A_58, %dma_wait3A_59, %dma_wait3A_60, %dma_wait3A_61] : memref<254x32x4x8x128xf32, #tpu.memory_space<hbm>> -> memref<1x32x2x8x128xf32, #tpu.memory_space<hbm>>
    %dma_wait3A_63 = tpu.memref_squeeze %dma_wait3A_62 : memref<1x32x2x8x128xf32, #tpu.memory_space<hbm>> -> memref<32x2x8x128xf32, #tpu.memory_space<hbm>>
    tpu.wait_dma2 semaphore(%arg6 : memref<!tpu.dma_semaphore, #tpu.memory_space<semaphore_mem>>) src(%dma_wait3A_63 : memref<32x2x8x128xf32, #tpu.memory_space<hbm>>) dst(%dma_wait3A_57 : memref<32x2x8x128xf32, #tpu.memory_space<hbm>>)
    return
  }
}

</mosaic_0001>

<sc_bundles>
// kernel: kernel.3.cloned.1.call-start
scs
__scs_entry_jumppad:
0x0: {  	(pc) =	sbr.rel $0x88, $3  }
0x1: {  	(tag) =	ssettag $0x0;
	lr =	simm.s32 $0x1  }
0x2: {  	[smem:$0x3FA0] =	sst lr;
	_ =	strace $0xD0000000  }
0x3: {  	_ = 	snop  }
0x4: {  	_ = 	snop  }
0x5: {  	_ = 	snop  }
0x6: {  	_ = 	snop  }
0x7: {  	_ = 	snop  }
__scs_overlays_trampoline_lowered:
0x8: {  	[smem:$0x3FAF] =	sst s0  }
0x9: {  	[smem:$0x3FB0] =	sst s1  }
0xa: {  	[smem:$0x3FB1] =	sst s2  }
0xb: {  	[smem:$0x3FB2] =	sst s3  }
0xc: {  	[smem:$0x3FB3] =	sst s4  }
0xd: {  	[smem:$0x3FB4] =	sst s5  }
0xe: {  	[smem:$0x3FB5] =	sst s6  }
0xf: {  	[smem:$0x3FB6] =	sst s7  }
0x10: {  	[smem:$0x3FB7] =	sst s8  }
0x11: {  	[smem:$0x3FB8] =	sst s9;
	s0 =	simm.s32 @!p0 $0x0  }
0x12: {  	s1 =	sld [smem:$0x3F9E];
	s0 =	simm.s32 @p0 $0x1  }
0x13: {  	[smem:$0x3FB9] =	sst s0;
	s0 =	simm.s32 @!p1 $0x0  }
0x14: {  	s2 =	sld [smem:$0x3F9D];
	s0 =	simm.s32 @p1 $0x1  }
0x15: {  	[smem:$0x3FBA] =	sst s0;
	s0 =	simm.s32 @!p2 $0x0  }
0x16: {  	s3 =	sld [smem:$0x3FDB];
	s0 =	simm.s32 @p2 $0x1  }
0x17: {  	s4 =	simm.s32 $0x1BF5;
	[smem:$0x3FBC] =	sst s0  }
0x18: {  	s0 =	sld [smem:$0x3F9F];
	_ =	swait.ge [sflag:s4], $0x0  }
0x19: {  	s7 =	sld [smem:$0x3FA0]  }
0x1a: {  	s8 =	sadd.s32 $0xFFFFE003, lr  }
0x1b: {  	s9 =	sadd.s32 $0xFFFFFEF7, lr;
	s5 =	simm.s32 $0xFFFFFFFF;
	p2 =	slt.u32 s8, $0xFFFFF086  }
0x1c: {  	p1 =	slt.u32 s9, $0xF7A;
	s5 =	simm.s32 @!p2 $0x0  }
0x1d: {  	s5 =	simm.s32 @p1 $0x1;
	p0 =	seq.s32 s7, s2  }
0x1e: {  	s7 =	smul.u32 @!p0 $0xF7A, s2;
	p2 =	seq.s32 @!p0 s5, $0x0  }
0x1f: {  	s9 =	smul.u32 $0xF7A, s1;
	s8 =	simm.s32 @!p0 $0x1BF5;
	p2 =	por !p2, p0  }
0x20: {  	[sflag:s8] =	ssyncset.s32 @!p0 $0xFFFFF086;
	s6 =	sadd.s32 @!p0 s3, s7;
	s7 =	simm.s32 @!p0 $0x108  }
0x21: {  	s3 =	sadd.s32 s3, s9;
	s6 =	sadd.s32 @!p0 $0x88, s6;
	s7 =	simm.s32 @p2 $0x1082  }
0x22: {  	[simem:s7], [sflag:s8] =	dma.local @!p0 [hbm:s6], $0xF7A  }
0x23: {  	s9 =	sor.u32 $0xD0000000, s2;
	s6 =	simm.s32 $0x108;
	_ =	swait.ge @!p0 [sflag:s8], $0x0  }
0x24: {  	s3 =	sadd.s32 $0x88, s3;
	s6 =	simm.s32 @!p1 $0x1082;
	[sflag:s4] =	ssyncset.s32 $0xFFFFF086  }
0x25: {  	[simem:s6], [sflag:s4] =	dma.local [hbm:s3], $0xF7A  }
0x26: {  	[smem:$0x3FA0] =	sst s1;
	(tag) =	ssettag s2;
	_ =	strace s9  }
0x27: {  	s1 =	sld [smem:$0x3FB0]  }
0x28: {  	s2 =	sld [smem:$0x3FB1]  }
0x29: {  	s4 =	sld [smem:$0x3FB3]  }
0x2a: {  	p0 =	seq.s32 s5, $0x0;
	s5 =	sld [smem:$0x3FB4]  }
0x2b: {  	s6 =	sld [smem:$0x3FB5]  }
0x2c: {  	s7 =	sld [smem:$0x3FB6]  }
0x2d: {  	s3 =	simm.s32 $0x108;
	s8 =	sld [smem:$0x3FB7]  }
0x2e: {  	s3 =	simm.s32 @!p0 $0x1082;
	s9 =	sld [smem:$0x3FB8]  }
0x2f: {  	lr =	sadd.s32 s0, s3;
	s0 =	sld [smem:$0x3FAF]  }
0x30: {  	s3 =	sld [smem:$0x3FB2]  }
0x31: {  	[smem:$0x3FBB] =	sst s10  }
0x32: {  	s10 =	sld [smem:$0x3FB9];
	_ =	sdelay $0x3  }
0x33: {  	p0 =	seq.s32 s10, $0x1;
	s10 =	sld [smem:$0x3FBB];
	_ =	sdelay $0x3  }
0x34: {  	[smem:$0x3FBB] =	sst s10  }
0x35: {  	s10 =	sld [smem:$0x3FBA];
	_ =	sdelay $0x3  }
0x36: {  	p1 =	seq.s32 s10, $0x1;
	s10 =	sld [smem:$0x3FBB];
	_ =	sdelay $0x3  }
0x37: {  	[smem:$0x3FBB] =	sst s10  }
0x38: {  	s10 =	sld [smem:$0x3FBC]  }
0x39: {  	_ = 	snop;
	(pc) =	sbr.ind lr, $3  }
0x3a: {  	_ = 	snop  }
0x3b: {  	_ = 	snop  }
0x3c: {  	p2 =	seq.s32 s10, $0x1;
	s10 =	sld [smem:$0x3FBB]  }
0x3d: {  	_ =	shalt  }
0x3e: {  	_ =	shalt  }
0x3f: {  	_ =	shalt  }
0x40: {  	_ =	shalt  }
0x41: {  	_ =	shalt  }
0x42: {  	_ =	shalt  }
0x43: {  	_ =	shalt  }
0x44: {  	_ =	shalt  }
0x45: {  	_ =	shalt  }
0x46: {  	_ =	shalt  }
0x47: {  	_ =	shalt  }
0x48: {  	_ =	shalt  }
0x49: {  	_ =	shalt  }
0x4a: {  	_ =	shalt  }
0x4b: {  	_ =	shalt  }
0x4c: {  	_ =	shalt  }
0x4d: {  	_ =	shalt  }
0x4e: {  	_ =	shalt  }
0x4f: {  	_ =	shalt  }
0x50: {  	_ =	shalt  }
0x51: {  	_ =	shalt  }
0x52: {  	_ =	shalt  }
0x53: {  	_ =	shalt  }
0x54: {  	_ =	shalt  }
0x55: {  	_ =	shalt  }
0x56: {  	_ =	shalt  }
0x57: {  	_ =	shalt  }
0x58: {  	_ =	shalt  }
0x59: {  	_ =	shalt  }
0x5a: {  	_ =	shalt  }
0x5b: {  	_ =	shalt  }
0x5c: {  	_ =	shalt  }
0x5d: {  	_ =	shalt  }
0x5e: {  	_ =	shalt  }
0x5f: {  	_ =	shalt  }
0x60: {  	_ =	shalt  }
0x61: {  	_ =	shalt  }
0x62: {  	_ =	shalt  }
0x63: {  	_ =	shalt  }
0x64: {  	_ =	shalt  }
0x65: {  	_ =	shalt  }
0x66: {  	_ =	shalt  }
0x67: {  	_ =	shalt  }
0x68: {  	_ =	shalt  }
0x69: {  	_ =	shalt  }
0x6a: {  	_ =	shalt  }
0x6b: {  	_ =	shalt  }
0x6c: {  	_ =	shalt  }
0x6d: {  	_ =	shalt  }
0x6e: {  	_ =	shalt  }
0x6f: {  	_ =	shalt  }
0x70: {  	_ =	shalt  }
0x71: {  	_ =	shalt  }
0x72: {  	_ =	shalt  }
0x73: {  	_ =	shalt  }
0x74: {  	_ =	shalt  }
0x75: {  	_ =	shalt  }
0x76: {  	_ =	shalt  }
0x77: {  	_ =	shalt  }
0x78: {  	_ =	shalt  }
0x79: {  	_ =	shalt  }
0x7a: {  	_ =	shalt  }
0x7b: {  	_ =	shalt  }
0x7c: {  	_ =	shalt  }
0x7d: {  	_ =	shalt  }
0x7e: {  	_ =	shalt  }
0x7f: {  	_ =	shalt  }
0x80: {  	_ =	shalt  }
0x81: {  	_ =	shalt  }
0x82: {  	_ =	shalt  }
0x83: {  	_ =	shalt  }
0x84: {  	_ =	shalt  }
0x85: {  	_ =	shalt  }
0x86: {  	_ =	shalt  }
0x87: {  	_ =	shalt  }
.Lfunc_end0:
.L_simem_size_0:
called_computation_lowered:
.L_overlay_start_0:
0x88: {  	s2 =	sld [smem:$0x3FD9]  }
0x89: {  	s3 =	sld [smem:$0x3FFE];
	_ =	sdelay $0x1  }
0x8a: {  	s1 =	srdreg.scid  }
0x8b: {  	s0 =	sand.u32 $0x1, s1  }
0x8c: {  	s17 =	sshll.u32 s0, $0xA;
	s2 =	sadd.s32 s3, s2  }
0x8d: {  	s2 =	sadd.s32 s2, s17  }
0x8e: {  	[smem:$0x3FC7] =	sst s2  }
0x8f: {  	_ = 	snop  }
0x90: {  	s2 =	sld [smem:$0x3FD0];
	(tm) =	ssettm $0x1  }
0x91: {  	s18 =	sld [smem:$0x3FFB];
	_ =	sdelay $0x3  }
0x92: {  	_ =	strace s18  }
0x93: {  	s3 =	sld [smem:$0x3FFC];
	_ =	sdelay $0x3  }
0x94: {  	_ =	strace s3  }
0x95: {  	s3 =	sld [smem:$0x3FFD];
	_ =	sdelay $0x3  }
0x96: {  	_ =	strace s3  }
0x97: {  	_ =	strace $0x8FFFFFFF  }
0x98: {  	s19 =	sld [smem:$0x3FDB];
	_ =	sdelay $0x1  }
0x99: {  	s4 =	simm.s32 $_scs_section_size  }
0x9a: {  	s5 =	simm.s32 $_size__tile_overlayer_lowered;
	s6 =	simm.s32 $_tile_overlayer_lowered  }
0x9b: {  	s22 =	simm.s32 $0x1BFF;
	s21 =	sshll.u32 s6, $0x1;
	s3 =	sadd.s32 s4, s19  }
0x9c: {  	s7 =	simm.s32 $0x0;
	s20 =	sshll.u32 s5, $0x1;
	s5 =	sadd.s32 s21, s3  }
0x9d: {  	[timem:s7], [sflag:s22] =	dma.local [hbm:s5], s20  }
0x9e: {  	_ =	swait.ge [sflag:s22], s20  }
0x9f: {  	s4 =	ssub.s32 $0x0, s20;
	[sflag:s22] =	ssyncset.done $0x0  }
0xa0: {  	[sflag:s22] =	ssyncadd.s32 s4;
	_ =	sdelay $0x1  }
0xa1: {  	s23 =	simm.s32 $0x1B8B  }
0xa2: {  	_ =	swait.ge [sflag:s23], $0x1  }
0xa3: {  	[sflag:s23] =	ssyncset.done $0x0  }
0xa4: {  	s25 =	simm.s32 $0x1B8E;
	s24 =	sld [smem:$0x3FFE];
	[sflag:s23] =	ssyncadd.s32 $0xFFFFFFFF  }
0xa5: {  	s26 =	simm.s32 $execute0_lowered;
	[smem:$0x3FD2] =	sst s25  }
0xa6: {  	s5 =	sshll.u32 s26, $0x1;
	_ =	strace $0x80000046;
	[dreg:$0x1] =	wrdreg $0xFFFFFFFF  }
0xa7: {  	s28 =	simm.s32 $_size_execute0_lowered;
	s3 =	sadd.s32 s3, s5;
	[dreg:$0x0] =	wrdreg $0x0  }
0xa8: {  	s5 =	sshll.u32 s28, $0x1;
	[dreg:$0x2] =	wrdreg s3  }
0xa9: {  	[dreg:$0x3] =	wrdreg s5  }
0xaa: {  	[dreg:$0x4] =	wrdreg $0xC0  }
0xab: {  	_ =	task [dreg:s7], $0x5FFFF  }
0xac: {  	[dreg:$0x1] =	wrdreg $0xFFFFFFFF  }
0xad: {  	[dreg:$0x0] =	wrdreg $0x60  }
0xae: {  	[dreg:$0x2] =	wrdreg s24  }
0xaf: {  	[dreg:$0x3] =	wrdreg s2  }
0xb0: {  	[dreg:$0x4] =	wrdreg $0x9  }
0xb1: {  	_ =	task.clear_ibuf [dreg:s7], $0x5FFFF;
	_ =	strace $0x90000046  }
0xb2: {  	s29 =	simm.s32 $0x9;
	_ =	strace $0x80000048  }
0xb3: {  	_ =	swait.ge [sflag:s29], $0x1  }
0xb4: {  	[sflag:s29] =	ssyncadd.s32 $0xFFFFFFFF  }
0xb5: {  	_ =	strace $0x90000048  }
0xb6: {  	_ =	sfence  }
0xb7: {  	s30 =	sld [smem:$0x0];
	_ =	sdelay $0x2  }
0xb8: {  	s31 =	sshll.u32 s1, $0xD;
	s1 =	sshrl.u32 s1, $0x2  }
0xb9: {  	s3 =	sand.u32 $0x4000, s31;
	s1 =	sadd.s32 s1, s30  }
0xba: {  	s0 =	sor.u32 s3, s0;
	s1 =	sshll.u32 s1, $0x11  }
0xbb: {  	s0 =	sor.u32 s1, s0  }
0xbc: {  	s0 =	sadd.s32 $0x8F2B, s0  }
0xbd: {  	[sflag:s0] =	ssyncadd.remote.s32 $0x1  }
0xbe: {  	_ =	sfence.sel $0xFFFF  }
0xbf: {  	[dreg:$0x0] =	wrdreg $0xFFFFFFFF;
	(pc) =	sbr.abs _section_cstart, $3  }
0xc0: {  	[dreg:$0x1] =	wrdreg $0xFFFFFFFF  }
0xc1: {  	_ =	task.clear_ibuf [dreg:s7], $0x2FFFF;
	_ =	strace $0x9FFFFFFF  }
0xc2: {  	(tm) =	ssettm $0x7FFFFFFF  }
0xc3: {  	_ =	shalt  }
tec
execute0_lowered:
.L_overlay_start_1:
0x0: {  	(tag) =	ssettag $0x1  }
0x1: {  	s5 =	rddreg [dreg:$0x0]  }
0x2: {  	s2 =	rddreg [dreg:$0x1]  }
0x3: {  	s1 =	stileid.u32;
	s0 =	rddreg [dreg:$0x2];
	s3 =	simm.s32 $0x0  }
0x4: {  	s6 =	srdreg.scid;
	s14 =	simm.s32 $0x200;
	s15 =	simm.s32 $0x1  }
0x5: {  	s16 =	simm.s32 $0x800;
	s17 =	simm.s32 $0x1000;
	s18 =	simm.s32 $0x2  }
0x6: {  	s4 =	sshll.u32 s1, $0x4;
	[smem:$0x7FF] =	sst s3;
	s6 =	sand.u32 $0x1, s6  }
0x7: {  	s5 =	sadd.s32 $0x400, s5;
	s12 =	sor.u32 s4, s1;
	s7 =	ssub.s32 $0x2, s6  }
0x8: {  	_ =	strace $0x80000047;
	s13 =	sshll.u32 s6, $0x8;
	s4 =	sor.u32 $0x78, s12  }
0x9: {  	s6 =	sshll.u32 s6, $0xB;
	p0 =	sgt.u32 s4, $0xFD;
	s8 =	sadd.s32 $0xFFFFFFF8, s4  }
0xa: {  	s9 =	sshrl.u32 s7, $0x1;
	s12 =	sand.u32 $0x87, s12;
	s4 =	smov.u32 @p0 s8  }
0xb: {  	s10 =	ssub.s32 s7, s9;
	s7 =	sadd.s32 $0x1000, s2;
	s11 =	sshll.u32 s4, $0x9  }
0xc: {  	s9 =	sadd.s32 $0x3000, s2;
	s8 =	sadd.s32 $0x2000, s2;
	s11 =	ssub.s32 s13, s11  }
0xd: {  	s10 =	smax.u32 s10, $0x1;
	s13 =	simm.s32 $0x80;
	s11 =	sadd.s32 $0x1FA00, s11  }
.LBB2_1:
0xe: {  	s19 =	sshrl.u32 s11, $0x3;
	s20 =	simm.s32 $0x0  }
0xf: {  	s31 =	sadd.s32 $0x80, s11;
	s21 =	simm.s32 $0x400;
	s19 =	sadd.s32 s5, s19  }
0x10: {  	[tilespmem:s20], [sflag:$0x1] =	stream.strided.gather [hbm4b:s19+s13], $0x400, s14, s13, $0x38;
	[tilespmem:$0x17800] =	vst v63  }
0x11: {  	s22 =	sshrl.u32 s31, $0x3;
	s19 =	simm.s32 $0x2000;
	s20 =	smov.u32 s11  }
.LBB2_2:
0x12: {  	p0 =	sne.s32 s19, $0x5C000;
	s22 =	sadd.s32 s5, s22;
	s20 =	sadd.s32 $0x1000, s20  }
0x13: {  	[tilespmem:s21], [sflag:$0x1] =	stream.strided.gather [hbm4b:s22+s13], $0x400, s14, s13, $0x38;
	[tilespmem:$0x17800] =	vst v63  }
.Ltmp0:
0x14: {  	s21 =	smov.u32 s19;
	s19 =	sadd.s32 $0x2000, s19;
	(pc) =	sbr.rel @p0 .LBB2_2-.Ltmp0, $4  }
0x15: {  	s22 =	sshrl.u32 s20, $0x3  }
0x16: {  	s23 =	sadd.s32 $0x80, s20;
	s21 =	sshra.s32 s21, $0x2;
	s22 =	sadd.s32 s5, s22  }
0x17: {  	[tilespmem:s21], [sflag:$0x1] =	stream.strided.gather [hbm4b:s22+s13], $0x400, s14, s13, $0x38;
	[tilespmem:$0x17800] =	vst v63  }
0x18: {  	s21 =	sadd.s32 $0x400, s21;
	s22 =	sshrl.u32 s23, $0x3  }
0x19: {  	s19 =	sadd.s32 s5, s22  }
0x1a: {  	[tilespmem:s21], [sflag:$0x1] =	stream.strided.gather [hbm4b:s19+s13], $0x400, s14, s13, $0x38;
	[tilespmem:$0x17800] =	vst v63  }
0x1b: {  	s22 =	sadd.s32 $0x8, s12;
	s19 =	sadd.s32 $0x0, s12  }
0x1c: {  	s21 =	simm.s32 $0x10;
	p0 =	sgt.u32 s19, $0xFD;
	s20 =	sadd.s32 $0xFFFFFFF8, s19  }
0x1d: {  	p1 =	sgt.u32 s22, $0xFD;
	s24 =	sadd.s32 $0xFFFFFFF8, s22;
	s19 =	smov.u32 @p0 s20  }
0x1e: {  	_ =	swait.ge [sflag:s15], $0x17800;
	s20 =	ssub.s32 s4, s19;
	s19 =	sshll.u32 s19, $0x11  }
0x1f: {  	[sflag:s15] =	ssyncset.done $0x0;
	s19 =	sor.u32 s6, s19;
	s20 =	sshll.u32 s20, $0xA  }
0x20: {  	[sflag:s15] =	ssyncadd.s32 $0xFFFE8800;
	s19 =	sshrl.u32 s19, $0x3;
	s20 =	sshra.s32 s20, $0x2  }
0x21: {  	s29 =	sadd.s32 s2, s19;
	s20 =	sand.u32 $0xFFFFF800, s20;
	s30 =	sadd.s32 s19, s7  }
0x22: {  	[hbm4b:s29+s16] =	stream.strided.scatter [tilespmem:s20], [sflag:$0x2], $0x4000, s17, s16, $0x38;
	[tilespmem:$0x17800] =	vst v63  }
0x23: {  	s23 =	sadd.s32 s19, s8;
	s31 =	sadd.s32 $0x4000, s20;
	s25 =	sadd.s32 $0x8000, s20  }
0x24: {  	[hbm4b:s30+s16] =	stream.strided.scatter [tilespmem:s31], [sflag:$0x2], $0x4000, s17, s16, $0x38;
	[tilespmem:$0x17800] =	vst v63  }
.LBB2_4:
0x25: {  	[hbm4b:s23+s16] =	stream.strided.scatter [tilespmem:s25], [sflag:$0x2], $0x4000, s17, s16, $0x38;
	[tilespmem:$0x17800] =	vst v63  }
0x26: {  	s23 =	smov.u32 s21  }
0x27: {  	p0 =	sne.s32 s21, $0x78;
	s21 =	sadd.s32 $0x8, s21;
	s22 =	smov.u32 @p1 s24  }
0x28: {  	s25 =	sadd.s32 s19, s9;
	s24 =	ssub.s32 s4, s22;
	s22 =	sshll.u32 s22, $0x11  }
0x29: {  	s20 =	sadd.s32 $0xC000, s20;
	s19 =	sor.u32 s6, s22;
	s24 =	sshll.u32 s24, $0xA  }
0x2a: {  	s22 =	sadd.s32 s23, s12;
	s19 =	sshrl.u32 s19, $0x3;
	s23 =	sshra.s32 s24, $0x2  }
0x2b: {  	[hbm4b:s25+s16] =	stream.strided.scatter [tilespmem:s20], [sflag:$0x2], $0x4000, s17, s16, $0x38;
	[tilespmem:$0x17800] =	vst v63  }
.Ltmp1:
0x2c: {  	s24 =	sadd.s32 s2, s19;
	s20 =	sand.u32 $0xFFFFF800, s23;
	(pc) =	sbr.rel @p0 .LBB2_4-.Ltmp1, $4  }
0x2d: {  	[hbm4b:s24+s16] =	stream.strided.scatter [tilespmem:s20], [sflag:$0x2], $0x4000, s17, s16, $0x38;
	[tilespmem:$0x17800] =	vst v63  }
0x2e: {  	s23 =	sadd.s32 s19, s8;
	s25 =	sadd.s32 $0x4000, s20;
	s24 =	sadd.s32 s19, s7  }
0x2f: {  	[hbm4b:s24+s16] =	stream.strided.scatter [tilespmem:s25], [sflag:$0x2], $0x4000, s17, s16, $0x38;
	[tilespmem:$0x17800] =	vst v63  }
0x30: {  	p1 =	sgt.u32 s22, $0xFD;
	s24 =	sadd.s32 $0xFFFFFFF8, s22;
	s25 =	sadd.s32 $0x8000, s20  }
0x31: {  	[hbm4b:s23+s16] =	stream.strided.scatter [tilespmem:s25], [sflag:$0x2], $0x4000, s17, s16, $0x38;
	[tilespmem:$0x17800] =	vst v63  }
0x32: {  	s22 =	smov.u32 @p1 s24  }
0x33: {  	s19 =	sadd.s32 s19, s9;
	s21 =	ssub.s32 s4, s22;
	s22 =	sshll.u32 s22, $0x11  }
0x34: {  	s20 =	sadd.s32 $0xC000, s20;
	s22 =	sor.u32 s6, s22;
	s21 =	sshll.u32 s21, $0xA  }
0x35: {  	[hbm4b:s19+s16] =	stream.strided.scatter [tilespmem:s20], [sflag:$0x2], $0x4000, s17, s16, $0x38;
	[tilespmem:$0x17800] =	vst v63  }
0x36: {  	s22 =	sshrl.u32 s22, $0x3;
	s21 =	sshra.s32 s21, $0x2  }
0x37: {  	s25 =	sadd.s32 s2, s22;
	s26 =	sand.u32 $0xFFFFF800, s21  }
0x38: {  	[hbm4b:s25+s16] =	stream.strided.scatter [tilespmem:s26], [sflag:$0x2], $0x4000, s17, s16, $0x38;
	[tilespmem:$0x17800] =	vst v63  }
0x39: {  	s28 =	sadd.s32 s22, s7;
	s21 =	sadd.s32 $0x4000, s26  }
0x3a: {  	[hbm4b:s28+s16] =	stream.strided.scatter [tilespmem:s21], [sflag:$0x2], $0x4000, s17, s16, $0x38;
	[tilespmem:$0x17800] =	vst v63  }
0x3b: {  	s29 =	sadd.s32 s22, s8;
	s30 =	sadd.s32 $0x8000, s26  }
0x3c: {  	[hbm4b:s29+s16] =	stream.strided.scatter [tilespmem:s30], [sflag:$0x2], $0x4000, s17, s16, $0x38;
	[tilespmem:$0x17800] =	vst v63  }
0x3d: {  	s3 =	sadd.s32 $0x1, s3;
	s31 =	sadd.s32 s22, s9;
	s20 =	sadd.s32 $0xC000, s26  }
0x3e: {  	[hbm4b:s31+s16] =	stream.strided.scatter [tilespmem:s20], [sflag:$0x2], $0x4000, s17, s16, $0x38;
	[tilespmem:$0x17800] =	vst v63  }
0x3f: {  	p0 =	sne.s32 s3, s10;
	_ =	swait.ge [sflag:s18], $0x2000  }
.Ltmp2:
0x40: {  	[sflag:s18] =	ssyncset.done $0x0;
	(pc) =	sbr.rel @p0 .LBB2_1-.Ltmp2, $4  }
0x41: {  	[sflag:s18] =	ssyncadd.s32 $0xFFFFE000  }
0x42: {  	_ =	swait.ge [sflag:s18], $0x2000  }
0x43: {  	[sflag:s18] =	ssyncset.done $0x0  }
0x44: {  	[sflag:s18] =	ssyncadd.s32 $0xFFFFE000  }
0x45: {  	_ =	sfence.sel $0x180000  }
0x46: {  	[bflag:$0x0] =	sbarrier.arrive $0xFFFF  }
0x47: {  	p0 =	sne.s32 s1, $0x0;
	_ =	strace $0x90000047  }
0x48: {  	s0 =	sadd.s32 @!p0 $0x100000, s0;
	[bflag:$0x2] =	sbarrier.arrive $0xFFFF  }
0x49: {  	[sflag:s0] =	ssyncadd.tile.s32 @!p0 $0x1;
	_ =	shalt  }
.Lfunc_end2:
_tile_overlayer_lowered:
.L_overlay_start_2:
0x4a: {  	(tag) =	ssettag $0x2  }
0x4b: {  	s0 =	rddreg [dreg:$0x0];
	s2 =	stileid.u32  }
0x4c: {  	s1 =	rddreg [dreg:$0x1];
	p0 =	sne.s32 s2, $0x0  }
0x4d: {  	s3 =	rddreg [dreg:$0x2];
	[bflag:$0x3] =	sbarrier.arrive $0xFFFF;
	s2 =	simm.s32 @!p0 $0x1C03  }
0x4e: {  	[timem:s3], [sflag:s2] =	dma.local @!p0 [hbm:s0], s1  }
0x4f: {  	s0 =	simm.s32 @!p0 $0x3  }
0x50: {  	_ =	swait.ge @!p0 [sflag:s0], s1  }
0x51: {  	s1 =	ssub.s32 @!p0 $0x0, s1;
	[sflag:s0] =	ssyncset.done @!p0 $0x0  }
0x52: {  	[sflag:s0] =	ssyncadd.s32 @!p0 s1  }
0x53: {  	[bflag:$0x3] =	sbarrier.arrive $0xFFFF  }
0x54: {  	_ =	shalt  }

</sc_bundles>
